<compile_context>
chip_gen: v7x
topology: tpu7x:2x2x1
jax: 0.10.2.dev20260603
libtpu: 0.0.44.dev20260713+nightly
codegen_flags: <defaults>
</compile_context>

<pallas_src>
import functools

import jax
import jax.numpy as jnp
from jax import lax
from jax.experimental import pallas as pl
from jax.experimental.pallas import tpu as pltpu
from jax.experimental.pallas import tpu_sc as plsc

SPLIT_RATIO = 0.5
NUM_ITERS = 3

_INFO = plsc.get_sparse_core_info()
NC = _INFO.num_cores
NS = _INFO.num_subcores
NW = NC * NS
CHUNK = 1024

ROW_BLK = 1280


def _round_up(v, m):
    return (v + m - 1) // m * m


@functools.lru_cache
def _split_mask(nt):
    import numpy as _np
    with jax.default_device(jax.devices("cpu")[0]):
        with jax.ensure_compile_time_eval():
            m = jax.random.uniform(jax.random.key(1), (nt,)) < SPLIT_RATIO
            return _np.asarray(m)




@functools.partial(jax.jit, static_argnames=("npad", "width", "chunk"))
def _sc_scatter_add(idx_pad, rows_pad, zeros, *, npad, width, chunk):
    epad = idx_pad.shape[0]
    epw = epad // NW
    nchunk = epw // chunk
    zrows = npad // NS

    mesh = plsc.VectorSubcoreMesh(core_axis_name="c", subcore_axis_name="s")

    @functools.partial(
        pl.kernel,
        out_type=jax.ShapeDtypeStruct((NC, npad, width), jnp.float32),
        mesh=mesh,
        scratch_types=[
            pltpu.VMEM((chunk,), jnp.int32),
            pltpu.VMEM((chunk, width), jnp.float32),
            pltpu.VMEM_SHARED((npad, width), jnp.float32),
        ],
        compiler_params=pltpu.CompilerParams(use_tc_tiling_on_sc=False),
    )
    def body(idx_hbm, rows_hbm, zeros_hbm, out_hbm, didx, rows_v, agg_sh):
        cid = lax.axis_index("c")
        sid = lax.axis_index("s")
        wid = sid * NC + cid
        pltpu.sync_copy(zeros_hbm.at[pl.ds(sid * zrows, zrows)],
                        agg_sh.at[pl.ds(sid * zrows, zrows)])
        plsc.subcore_barrier()

        def step(k, carry):
            base = wid * epw + k * chunk
            pltpu.sync_copy(idx_hbm.at[pl.ds(base, chunk)], didx)
            pltpu.sync_copy(rows_hbm.at[pl.ds(base, chunk)], rows_v)
            pltpu.sync_copy(rows_v, agg_sh.at[didx], add=True)
            return carry

        lax.fori_loop(0, nchunk, step, 0)
        plsc.subcore_barrier()
        pltpu.sync_copy(agg_sh.at[pl.ds(sid * zrows, zrows)],
                        out_hbm.at[cid].at[pl.ds(sid * zrows, zrows)])

    return body(idx_pad, rows_pad, zeros)


AGG_CORES = 2
CORE0_SHARE = 15


@functools.partial(jax.jit, static_argnames=("npad", "width", "chunk", "ncores"))
def _sc_gather_scatter_add(h_aug, edges2, zeros, *, npad, width, chunk,
                           ncores=NC):
    nw = ncores * NS
    nchunk = edges2.shape[0] // nw
    per_pair = nchunk * ncores
    cnt0 = CORE0_SHARE if ncores == 2 else per_pair
    zrows = npad // NS

    mesh = plsc.VectorSubcoreMesh(core_axis_name="c", subcore_axis_name="s",
                                  num_cores=ncores)

    @functools.partial(
        pl.kernel,
        out_type=jax.ShapeDtypeStruct((ncores, npad, width), jnp.float32),
        mesh=mesh,
        scratch_types=[
            pltpu.VMEM((2, chunk), jnp.int32),
            pltpu.VMEM((chunk, width), jnp.float32),
            pltpu.VMEM_SHARED((npad, width), jnp.float32),
            pltpu.SemaphoreType.DMA,
        ],
        compiler_params=pltpu.CompilerParams(use_tc_tiling_on_sc=False),
    )
    def body(h_hbm, e2_hbm, zeros_hbm, out_hbm,
             idxb, rows_v, agg_sh, sem):
        cid = lax.axis_index("c")
        sid = lax.axis_index("s")
        start = sid * per_pair + cid * cnt0
        cnt = lax.select(cid == 0, cnt0, per_pair - cnt0)

        pltpu.sync_copy(zeros_hbm.at[pl.ds(sid * zrows, zrows)],
                        agg_sh.at[pl.ds(sid * zrows, zrows)])
        plsc.subcore_barrier()

        def step(g, carry):
            pltpu.sync_copy(e2_hbm.at[start + g], idxb)
            pltpu.async_copy(h_hbm.at[idxb.at[0]], rows_v, sem).wait()
            pltpu.sync_copy(rows_v, agg_sh.at[idxb.at[1]], add=True)
            return carry

        lax.fori_loop(0, cnt, step, 0)
        plsc.subcore_barrier()
        pltpu.sync_copy(agg_sh.at[pl.ds(sid * zrows, zrows)],
                        out_hbm.at[cid].at[pl.ds(sid * zrows, zrows)])

    return body(h_aug, edges2, zeros)




def _tc_h1(x_pad, y2, flagsp, W, b2, *, d, c, width):
    npad = x_pad.shape[0]
    grid = npad // ROW_BLK

    def body(x_ref, y_ref, fl_ref, w_ref, b_ref, haug_ref, l_ref, h0_ref):
        xb = x_ref[...]
        w1 = w_ref[:d, :]
        w2 = w_ref[d:, :]
        h0 = jnp.dot(xb, w1, preferred_element_type=jnp.float32) + b_ref[...]
        labeled = (fl_ref[0, :, 0:1] + fl_ref[1, :, 0:1]) > 0.0
        iota = lax.broadcasted_iota(jnp.int32, (ROW_BLK, c), 1)
        onehot = jnp.where(labeled & (y_ref[...] == iota), 1.0, 0.0)
        h = h0 + jnp.dot(onehot, w2, preferred_element_type=jnp.float32)
        haug_ref[...] = jnp.concatenate(
            [h, jnp.ones((ROW_BLK, 1), jnp.float32),
             jnp.zeros((ROW_BLK, width - c - 1), jnp.float32)], axis=1)
        l_ref[...] = onehot
        h0_ref[...] = h0

    return pl.pallas_call(
        body,
        grid=(grid,),
        in_specs=[
            pl.BlockSpec((ROW_BLK, d), lambda i: (i, 0)),
            pl.BlockSpec((ROW_BLK, 1), lambda i: (i, 0)),
            pl.BlockSpec((2, ROW_BLK, 8), lambda i: (0, i, 0)),
            pl.BlockSpec(W.shape, lambda i: (0, 0)),
            pl.BlockSpec(b2.shape, lambda i: (0, 0)),
        ],
        out_specs=[
            pl.BlockSpec((ROW_BLK, width), lambda i: (i, 0)),
            pl.BlockSpec((ROW_BLK, c), lambda i: (i, 0)),
            pl.BlockSpec((ROW_BLK, c), lambda i: (i, 0)),
        ],
        out_shape=[
            jax.ShapeDtypeStruct((npad, width), jnp.float32),
            jax.ShapeDtypeStruct((npad, c), jnp.float32),
            jax.ShapeDtypeStruct((npad, c), jnp.float32),
        ],
    )(x_pad, y2, flagsp, W, b2)


def _tc_iter(aggp, h0_pad, l_pad, flagsp, W, *, d, c, width):
    npad = h0_pad.shape[0]
    grid = npad // ROW_BLK

    def body(agg_ref, h0_ref, l_ref, fl_ref, w_ref, haug_ref, l_out_ref):
        agg = jnp.sum(agg_ref[...], axis=0)
        deg = jnp.maximum(agg[:, c:c + 1], 1.0)
        out = agg[:, :c] / deg
        m = jnp.max(out, axis=1, keepdims=True)
        ex = jnp.exp(out - m)
        p = ex / jnp.sum(ex, axis=1, keepdims=True)
        upd = (fl_ref[0, :, 1:2] + fl_ref[1, :, 1:2]) > 0.0
        l_new = jnp.where(upd, p, l_ref[...])
        w2 = w_ref[d:, :]
        h = h0_ref[...] + jnp.dot(l_new, w2, preferred_element_type=jnp.float32)
        haug_ref[...] = jnp.concatenate(
            [h, jnp.ones((ROW_BLK, 1), jnp.float32),
             jnp.zeros((ROW_BLK, width - c - 1), jnp.float32)], axis=1)
        l_out_ref[...] = l_new

    return pl.pallas_call(
        body,
        grid=(grid,),
        in_specs=[
            pl.BlockSpec((aggp.shape[0], ROW_BLK, width), lambda i: (0, i, 0)),
            pl.BlockSpec((ROW_BLK, c), lambda i: (i, 0)),
            pl.BlockSpec((ROW_BLK, c), lambda i: (i, 0)),
            pl.BlockSpec((2, ROW_BLK, 8), lambda i: (0, i, 0)),
            pl.BlockSpec(W.shape, lambda i: (0, 0)),
        ],
        out_specs=[
            pl.BlockSpec((ROW_BLK, width), lambda i: (i, 0)),
            pl.BlockSpec((ROW_BLK, c), lambda i: (i, 0)),
        ],
        out_shape=[
            jax.ShapeDtypeStruct((npad, width), jnp.float32),
            jax.ShapeDtypeStruct((npad, c), jnp.float32),
        ],
    )(aggp, h0_pad, l_pad, flagsp, W)


def _tc_final(aggp, *, c, width):
    npad = aggp.shape[1]
    grid = npad // ROW_BLK

    def body(agg_ref, out_ref):
        agg = jnp.sum(agg_ref[...], axis=0)
        deg = jnp.maximum(agg[:, c:c + 1], 1.0)
        out_ref[...] = agg[:, :c] / deg

    return pl.pallas_call(
        body,
        grid=(grid,),
        in_specs=[pl.BlockSpec((aggp.shape[0], ROW_BLK, width),
                               lambda i: (0, i, 0))],
        out_specs=pl.BlockSpec((ROW_BLK, c), lambda i: (i, 0)),
        out_shape=jax.ShapeDtypeStruct((npad, c), jnp.float32),
    )(aggp)




def kernel(x, edge_index, y, train_idx, W, b):
    n, d = x.shape
    c = W.shape[0] - d
    e = edge_index.shape[1]
    nt = train_idx.shape[0]
    width = _round_up(c + 1, 16)
    npad = _round_up(n + 1, ROW_BLK)
    epad = _round_up(e, AGG_CORES * NS * CHUNK)
    ntpad = _round_up(nt, NW * 16)

    f32 = jnp.float32
    try:
        mask_f = jnp.asarray(_split_mask(nt), f32)
    except Exception:
        mask_f = (jax.random.uniform(jax.random.key(1), (nt,))
                  < SPLIT_RATIO).astype(f32)

    tidx_pad = jnp.full((ntpad,), n, jnp.int32).at[:nt].set(train_idx)
    m8 = (jnp.zeros((ntpad, 8), f32)
          .at[:nt, 0].set(mask_f)
          .at[:nt, 1].set(1.0 - mask_f))
    fill = jnp.full((epad - e,), n, jnp.int32)
    src_pad = jnp.concatenate([edge_index[0], fill])
    dst_pad = jnp.concatenate([edge_index[1], fill])
    edges2 = jnp.stack([src_pad.reshape(-1, CHUNK),
                        dst_pad.reshape(-1, CHUNK)], axis=1)
    x_pad = jnp.zeros((npad, d), f32).at[:n].set(x)
    y2 = jnp.zeros((npad, 1), jnp.int32).at[:n, 0].set(y)
    zeros_w = jnp.zeros((npad, width), f32)
    zeros_8 = jnp.zeros((npad, 8), f32)
    b2 = b.reshape(1, c)

    tchunk = ntpad // NW // 2
    flagsp = _sc_scatter_add(tidx_pad, m8, zeros_8,
                             npad=npad, width=8, chunk=tchunk)

    h_aug, l_cur, h0_pad = _tc_h1(x_pad, y2, flagsp, W, b2,
                                  d=d, c=c, width=width)

    aggp = None
    for it in range(NUM_ITERS):
        aggp = _sc_gather_scatter_add(h_aug, edges2, zeros_w,
                                      npad=npad, width=width, chunk=CHUNK,
                                      ncores=AGG_CORES)
        if it < NUM_ITERS - 1:
            h_aug, l_cur = _tc_iter(aggp, h0_pad, l_cur, flagsp, W,
                                    d=d, c=c, width=width)

    out_pad = _tc_final(aggp, c=c, width=width)
    return out_pad[:n]

# --- scband reference (transcript-rebuilt; emitter-appended) ---
"""Pipeline reference for scband-label-usage-65773129171575 (READ-ONLY COPY).

The authoritative reference and input builder live on the scoring server;
editing this copy changes nothing except your own understanding.
"""

import jax, jax.numpy as jnp
import numpy as np

SPLIT_RATIO = 0.5
NUM_ITERS = 3
N_NODES = 10000
N_EDGES = 320000
D_FEAT = 128
NUM_CLASSES = 40
N_TRAIN = 5000


def setup_inputs(seed: int = 0) -> dict:
    key = jax.random.key(seed)
    k1, k2, k3, k4, k5 = jax.random.split(key, 5)
    x = jax.random.normal(k1, (N_NODES, D_FEAT), dtype=jnp.float32)
    edge_index = jax.random.randint(k2, (2, N_EDGES), 0, N_NODES, dtype=jnp.int32)
    y = jax.random.randint(k3, (N_NODES,), 0, NUM_CLASSES, dtype=jnp.int32)
    train_idx = jax.random.randint(k4, (N_TRAIN,), 0, N_NODES, dtype=jnp.int32)
    # base_model parameters: a single GCN-style layer mapping (d_feat + num_classes) -> num_classes
    W = jax.random.normal(k5, (D_FEAT + NUM_CLASSES, NUM_CLASSES), dtype=jnp.float32) * 0.05
    b = jnp.zeros((NUM_CLASSES,), dtype=jnp.float32)
    return {"x": x, "edge_index": edge_index, "y": y, "train_idx": train_idx, "W": W, "b": b}


def _base_model(feat, src, dst, deg, W, b):
    # GCN-style: linear transform then mean aggregation over incoming edges
    h = feat @ W + b
    agg = jnp.zeros_like(h).at[dst].add(h[src])
    return agg / jnp.clip(deg, 1.0)[:, None]


def reference(x, edge_index, y, train_idx, W, b):
    # number of distinct classes present, mirroring len(torch.unique(y))
    num_classes = W.shape[0] - x.shape[1]
    # torch.rand(train_idx.shape) < split_ratio -> fixed-key uniform mask
    mask = jax.random.uniform(jax.random.key(1), train_idx.shape) < SPLIT_RATIO
    oob = x.shape[0]
    train_labels_rows = jnp.where(mask, train_idx, oob)
    train_pred_rows = jnp.where(mask, oob, train_idx)
    # one-hot scatter-overwrite: onehot[train_labels_idx, y[train_labels_idx]] = 1
    onehot = jnp.zeros((x.shape[0], num_classes), dtype=x.dtype)
    onehot = onehot.at[train_labels_rows, y.at[train_labels_rows].get(mode="clip")].set(
        1.0, mode="drop"
    )
    feat = jnp.concatenate([x, onehot], axis=-1)
    src = edge_index[0]
    dst = edge_index[1]
    deg = jnp.zeros((x.shape[0],), dtype=x.dtype).at[dst].add(1.0)
    output = None
    for _ in range(max(1, NUM_ITERS)):
        output = _base_model(feat, src, dst, deg, W, b)
        pred_labels = jax.nn.softmax(output, axis=1)
        # scatter-overwrite rows of feat at train_pred_idx
        feat = feat.at[train_pred_rows].set(
            jnp.concatenate(
                [
                    x.at[train_pred_rows].get(mode="clip"),
                    pred_labels.at[train_pred_rows].get(mode="clip"),
                ],
                axis=1,
            ),
            mode="drop",
        )
    return output

if __name__ == "__main__":
    import jax
    _d = setup_inputs()
    print(jax.jit(kernel)(*tuple(_d.values())))

</pallas_src>

<mosaic_0001>
#map = affine_map<(d0, d1) -> (0)>
#map1 = affine_map<(d0, d1) -> (0, 0)>
#map2 = affine_map<(d0, d1) -> (0, 0, 0)>
module attributes {stable_mosaic.version = 14 : i64} {
  func.func @body(%arg0: i32, %arg1: i32, %arg2: memref<5120xi32, #tpu.memory_space<hbm>>, %arg3: memref<5120x8xf32, #tpu.memory_space<hbm>>, %arg4: memref<10240x8xf32, #tpu.memory_space<hbm>>, %arg5: memref<2x10240x8xf32, #tpu.memory_space<hbm>>, %arg6: memref<80xi32, #tpu.memory_space<vmem>>, %arg7: memref<80x8xf32, #tpu.memory_space<vmem>>, %arg8: memref<10240x8xf32, #tpu.memory_space<vmem_shared>>) attributes {dimension_semantics = [#tpu.dimension_semantics<core_parallel>, #tpu.dimension_semantics<subcore_parallel>], iteration_bounds = array<i64: 2, 16>, scalar_prefetch = 0 : i64, scratch_operands = 3 : i64, tpu.core_type = #tpu.core_type<sc_vector_subcore>, window_params = [{transform_indices = #map}, {transform_indices = #map1}, {transform_indices = #map1}, {transform_indices = #map2}]} {
    %mul3A = arith.constant 2 : i32
    %mul3A_0 = arith.muli %arg1, %mul3A : i32
    %add3A = arith.addi %mul3A_0, %arg0 : i32
    %mul3A_1 = arith.constant 640 : i32
    %mul3A_2 = arith.muli %arg1, %mul3A_1 : i32
    %mul3A_3 = arith.constant 640 : i32
    %mul3A_4 = arith.muli %arg1, %mul3A_3 : i32
    "tpu.region"() ({
      %run_scoped3A = tpu.sem_alloc : memref<!tpu.dma_semaphore, #tpu.memory_space<semaphore_mem>>
      %dma_start3A = arith.constant 0 : i32
      %dma_start3A_15 = tpu.memref_slice %arg8[%mul3A_4, %dma_start3A] : memref<10240x8xf32, #tpu.memory_space<vmem_shared>> -> memref<640x8xf32, #tpu.memory_space<vmem_shared>>
      %dma_start3A_16 = arith.constant 0 : i32
      %dma_start3A_17 = tpu.memref_slice %arg4[%mul3A_2, %dma_start3A_16] : memref<10240x8xf32, #tpu.memory_space<hbm>> -> memref<640x8xf32, #tpu.memory_space<hbm>>
      tpu.enqueue_dma source(%dma_start3A_17 : memref<640x8xf32, #tpu.memory_space<hbm>>) target(%dma_start3A_15 : memref<640x8xf32, #tpu.memory_space<vmem_shared>>) target_semaphore(%run_scoped3A : memref<!tpu.dma_semaphore, #tpu.memory_space<semaphore_mem>>)
      %dma_wait3A = arith.constant 0 : i32
      %dma_wait3A_18 = tpu.memref_slice %arg8[%mul3A_4, %dma_wait3A] : memref<10240x8xf32, #tpu.memory_space<vmem_shared>> -> memref<640x8xf32, #tpu.memory_space<vmem_shared>>
      %dma_wait3A_19 = arith.constant 0 : i32
      %dma_wait3A_20 = tpu.memref_slice %arg4[%mul3A_2, %dma_wait3A_19] : memref<10240x8xf32, #tpu.memory_space<hbm>> -> memref<640x8xf32, #tpu.memory_space<hbm>>
      tpu.wait_dma2 semaphore(%run_scoped3A : memref<!tpu.dma_semaphore, #tpu.memory_space<semaphore_mem>>) src(%dma_wait3A_20 : memref<640x8xf32, #tpu.memory_space<hbm>>) dst(%dma_wait3A_18 : memref<640x8xf32, #tpu.memory_space<vmem_shared>>)
      tpu.yield
    }) : () -> ()
    %barrier3A = arith.constant 0 : index
    tpu.barrier barrier_id(%barrier3A)
    %scan3A = arith.constant 0 : i32
    %scan3A_5 = arith.constant 0 : i32
    %scan3A_6 = arith.constant 2 : i32
    %scan3A_7 = arith.addi %scan3A_5, %scan3A_6 : i32
    %scan3A_8 = arith.constant 1 : i32
    scf.for %scan3A_15 = %scan3A_5 to %scan3A_7 step %scan3A_8  : i32 {
      %mul3A_16 = arith.constant 160 : i32
      %mul3A_17 = arith.muli %add3A, %mul3A_16 : i32
      %mul3A_18 = arith.constant 80 : i32
      %mul3A_19 = arith.muli %scan3A_15, %mul3A_18 : i32
      %add3A_20 = arith.addi %mul3A_17, %mul3A_19 : i32
      "tpu.region"() ({
        %run_scoped3A = tpu.sem_alloc : memref<!tpu.dma_semaphore, #tpu.memory_space<semaphore_mem>>
        %dma_start3A = tpu.memref_slice %arg2[%add3A_20] : memref<5120xi32, #tpu.memory_space<hbm>> -> memref<80xi32, #tpu.memory_space<hbm>>
        %dma_start3A_21 = tpu.memref_slice %arg2[%add3A_20] : memref<5120xi32, #tpu.memory_space<hbm>> -> memref<80xi32, #tpu.memory_space<hbm>>
        tpu.enqueue_dma source(%dma_start3A_21 : memref<80xi32, #tpu.memory_space<hbm>>) target(%arg6 : memref<80xi32, #tpu.memory_space<vmem>>) target_semaphore(%run_scoped3A : memref<!tpu.dma_semaphore, #tpu.memory_space<semaphore_mem>>)
        %dma_wait3A = tpu.memref_slice %arg2[%add3A_20] : memref<5120xi32, #tpu.memory_space<hbm>> -> memref<80xi32, #tpu.memory_space<hbm>>
        %dma_wait3A_22 = tpu.memref_slice %arg2[%add3A_20] : memref<5120xi32, #tpu.memory_space<hbm>> -> memref<80xi32, #tpu.memory_space<hbm>>
        tpu.wait_dma2 semaphore(%run_scoped3A : memref<!tpu.dma_semaphore, #tpu.memory_space<semaphore_mem>>) src(%dma_wait3A_22 : memref<80xi32, #tpu.memory_space<hbm>>) dst(%arg6 : memref<80xi32, #tpu.memory_space<vmem>>)
        tpu.yield
      }) : () -> ()
      "tpu.region"() ({
        %run_scoped3A = tpu.sem_alloc : memref<!tpu.dma_semaphore, #tpu.memory_space<semaphore_mem>>
        %dma_start3A = arith.constant 0 : i32
        %dma_start3A_21 = tpu.memref_slice %arg3[%add3A_20, %dma_start3A] : memref<5120x8xf32, #tpu.memory_space<hbm>> -> memref<80x8xf32, #tpu.memory_space<hbm>>
        %dma_start3A_22 = arith.constant 0 : i32
        %dma_start3A_23 = tpu.memref_slice %arg3[%add3A_20, %dma_start3A_22] : memref<5120x8xf32, #tpu.memory_space<hbm>> -> memref<80x8xf32, #tpu.memory_space<hbm>>
        tpu.enqueue_dma source(%dma_start3A_23 : memref<80x8xf32, #tpu.memory_space<hbm>>) target(%arg7 : memref<80x8xf32, #tpu.memory_space<vmem>>) target_semaphore(%run_scoped3A : memref<!tpu.dma_semaphore, #tpu.memory_space<semaphore_mem>>)
        %dma_wait3A = arith.constant 0 : i32
        %dma_wait3A_24 = tpu.memref_slice %arg3[%add3A_20, %dma_wait3A] : memref<5120x8xf32, #tpu.memory_space<hbm>> -> memref<80x8xf32, #tpu.memory_space<hbm>>
        %dma_wait3A_25 = arith.constant 0 : i32
        %dma_wait3A_26 = tpu.memref_slice %arg3[%add3A_20, %dma_wait3A_25] : memref<5120x8xf32, #tpu.memory_space<hbm>> -> memref<80x8xf32, #tpu.memory_space<hbm>>
        tpu.wait_dma2 semaphore(%run_scoped3A : memref<!tpu.dma_semaphore, #tpu.memory_space<semaphore_mem>>) src(%dma_wait3A_26 : memref<80x8xf32, #tpu.memory_space<hbm>>) dst(%arg7 : memref<80x8xf32, #tpu.memory_space<vmem>>)
        tpu.yield
      }) : () -> ()
      "tpu.region"() ({
        %run_scoped3A = tpu.sem_alloc : memref<!tpu.dma_semaphore, #tpu.memory_space<semaphore_mem>>
        %dma_start3A = arith.constant 0 : i32
        %dma_start3A_21 = arith.constant 0 : i32
        %dma_start3A_22 = tpu.memref_slice %arg8[%dma_start3A, %dma_start3A_21] : memref<10240x8xf32, #tpu.memory_space<vmem_shared>> -> memref<10240x8xf32, #tpu.memory_space<vmem_shared>>
        tpu.enqueue_indirect_dma source(%arg7 : memref<80x8xf32, #tpu.memory_space<vmem>>) target(%dma_start3A_22 : memref<10240x8xf32, #tpu.memory_space<vmem_shared>>) offsets(%arg6 : memref<80xi32, #tpu.memory_space<vmem>>) semaphore(%run_scoped3A : memref<!tpu.dma_semaphore, #tpu.memory_space<semaphore_mem>>) {add = true}
        %dma_wait3A = arith.constant 0 : i32
        %dma_wait3A_23 = arith.constant 0 : i32
        %dma_wait3A_24 = tpu.memref_slice %arg8[%dma_wait3A, %dma_wait3A_23] : memref<10240x8xf32, #tpu.memory_space<vmem_shared>> -> memref<10240x8xf32, #tpu.memory_space<vmem_shared>>
        tpu.wait_indirect_dma semaphore(%run_scoped3A : memref<!tpu.dma_semaphore, #tpu.memory_space<semaphore_mem>>) src(%arg7 : memref<80x8xf32, #tpu.memory_space<vmem>>) dst(%dma_wait3A_24 : memref<10240x8xf32, #tpu.memory_space<vmem_shared>>)
        tpu.yield
      }) : () -> ()
    }
    %scan3A_9 = arith.constant 2 : i32
    %barrier3A_10 = arith.constant 0 : index
    tpu.barrier barrier_id(%barrier3A_10)
    %mul3A_11 = arith.constant 640 : i32
    %mul3A_12 = arith.muli %arg1, %mul3A_11 : i32
    %mul3A_13 = arith.constant 640 : i32
    %mul3A_14 = arith.muli %arg1, %mul3A_13 : i32
    "tpu.region"() ({
      %run_scoped3A = tpu.sem_alloc : memref<!tpu.dma_semaphore, #tpu.memory_space<semaphore_mem>>
      %dma_start3A = arith.constant 0 : i32
      %dma_start3A_15 = arith.constant 0 : i32
      %dma_start3A_16 = tpu.memref_slice %arg5[%arg0, %dma_start3A, %dma_start3A_15] : memref<2x10240x8xf32, #tpu.memory_space<hbm>> -> memref<1x10240x8xf32, #tpu.memory_space<hbm>>
      %dma_start3A_17 = tpu.memref_squeeze %dma_start3A_16 : memref<1x10240x8xf32, #tpu.memory_space<hbm>> -> memref<10240x8xf32, #tpu.memory_space<hbm>>
      %dma_start3A_18 = arith.constant 0 : i32
      %dma_start3A_19 = tpu.memref_slice %dma_start3A_17[%mul3A_14, %dma_start3A_18] : memref<10240x8xf32, #tpu.memory_space<hbm>> -> memref<640x8xf32, #tpu.memory_space<hbm>>
      %dma_start3A_20 = arith.constant 0 : i32
      %dma_start3A_21 = tpu.memref_slice %arg8[%mul3A_12, %dma_start3A_20] : memref<10240x8xf32, #tpu.memory_space<vmem_shared>> -> memref<640x8xf32, #tpu.memory_space<vmem_shared>>
      tpu.enqueue_dma source(%dma_start3A_21 : memref<640x8xf32, #tpu.memory_space<vmem_shared>>) target(%dma_start3A_19 : memref<640x8xf32, #tpu.memory_space<hbm>>) target_semaphore(%run_scoped3A : memref<!tpu.dma_semaphore, #tpu.memory_space<semaphore_mem>>)
      %dma_wait3A = arith.constant 0 : i32
      %dma_wait3A_22 = arith.constant 0 : i32
      %dma_wait3A_23 = tpu.memref_slice %arg5[%arg0, %dma_wait3A, %dma_wait3A_22] : memref<2x10240x8xf32, #tpu.memory_space<hbm>> -> memref<1x10240x8xf32, #tpu.memory_space<hbm>>
      %dma_wait3A_24 = tpu.memref_squeeze %dma_wait3A_23 : memref<1x10240x8xf32, #tpu.memory_space<hbm>> -> memref<10240x8xf32, #tpu.memory_space<hbm>>
      %dma_wait3A_25 = arith.constant 0 : i32
      %dma_wait3A_26 = tpu.memref_slice %dma_wait3A_24[%mul3A_14, %dma_wait3A_25] : memref<10240x8xf32, #tpu.memory_space<hbm>> -> memref<640x8xf32, #tpu.memory_space<hbm>>
      %dma_wait3A_27 = arith.constant 0 : i32
      %dma_wait3A_28 = tpu.memref_slice %arg8[%mul3A_12, %dma_wait3A_27] : memref<10240x8xf32, #tpu.memory_space<vmem_shared>> -> memref<640x8xf32, #tpu.memory_space<vmem_shared>>
      tpu.wait_dma2 semaphore(%run_scoped3A : memref<!tpu.dma_semaphore, #tpu.memory_space<semaphore_mem>>) src(%dma_wait3A_28 : memref<640x8xf32, #tpu.memory_space<vmem_shared>>) dst(%dma_wait3A_26 : memref<640x8xf32, #tpu.memory_space<hbm>>)
      tpu.yield
    }) : () -> ()
    return
  }
}

</mosaic_0001>

<sc_bundles>
// kernel: _sc_scatter_add.3.cloned.1.call-start
scs
__scs_entry_jumppad:
0x0: {  	(pc) =	sbr.rel $0x88, $3  }
0x1: {  	(tag) =	ssettag $0x0;
	lr =	simm.s32 $0x1  }
0x2: {  	[smem:$0x3F9E] =	sst lr;
	_ =	strace $0xD0000000  }
0x3: {  	_ = 	snop  }
0x4: {  	_ = 	snop  }
0x5: {  	_ = 	snop  }
0x6: {  	_ = 	snop  }
0x7: {  	_ = 	snop  }
__scs_overlays_trampoline_lowered:
0x8: {  	[smem:$0x3FAD] =	sst s0  }
0x9: {  	[smem:$0x3FAE] =	sst s1  }
0xa: {  	[smem:$0x3FAF] =	sst s2  }
0xb: {  	[smem:$0x3FB0] =	sst s3  }
0xc: {  	[smem:$0x3FB1] =	sst s4  }
0xd: {  	[smem:$0x3FB2] =	sst s5  }
0xe: {  	[smem:$0x3FB3] =	sst s6  }
0xf: {  	[smem:$0x3FB4] =	sst s7  }
0x10: {  	[smem:$0x3FB5] =	sst s8  }
0x11: {  	[smem:$0x3FB6] =	sst s9;
	s0 =	simm.s32 @!p0 $0x0  }
0x12: {  	s1 =	sld [smem:$0x3F9C];
	s0 =	simm.s32 @p0 $0x1  }
0x13: {  	[smem:$0x3FB7] =	sst s0;
	s0 =	simm.s32 @!p1 $0x0  }
0x14: {  	s2 =	sld [smem:$0x3F9B];
	s0 =	simm.s32 @p1 $0x1  }
0x15: {  	[smem:$0x3FB8] =	sst s0;
	s0 =	simm.s32 @!p2 $0x0  }
0x16: {  	s3 =	sld [smem:$0x3FDB];
	s0 =	simm.s32 @p2 $0x1  }
0x17: {  	s4 =	simm.s32 $0x1BF5;
	[smem:$0x3FBA] =	sst s0  }
0x18: {  	s0 =	sld [smem:$0x3F9D];
	_ =	swait.ge [sflag:s4], $0x0  }
0x19: {  	s7 =	sld [smem:$0x3F9E]  }
0x1a: {  	s8 =	sadd.s32 $0xFFFFE003, lr  }
0x1b: {  	s9 =	sadd.s32 $0xFFFFFEF7, lr;
	s5 =	simm.s32 $0xFFFFFFFF;
	p2 =	slt.u32 s8, $0xFFFFF086  }
0x1c: {  	p1 =	slt.u32 s9, $0xF7A;
	s5 =	simm.s32 @!p2 $0x0  }
0x1d: {  	s5 =	simm.s32 @p1 $0x1;
	p0 =	seq.s32 s7, s2  }
0x1e: {  	s7 =	smul.u32 @!p0 $0xF7A, s2;
	p2 =	seq.s32 @!p0 s5, $0x0  }
0x1f: {  	s9 =	smul.u32 $0xF7A, s1;
	s8 =	simm.s32 @!p0 $0x1BF5;
	p2 =	por !p2, p0  }
0x20: {  	[sflag:s8] =	ssyncset.s32 @!p0 $0xFFFFF086;
	s6 =	sadd.s32 @!p0 s3, s7;
	s7 =	simm.s32 @!p0 $0x108  }
0x21: {  	s3 =	sadd.s32 s3, s9;
	s6 =	sadd.s32 @!p0 $0x88, s6;
	s7 =	simm.s32 @p2 $0x1082  }
0x22: {  	[simem:s7], [sflag:s8] =	dma.local @!p0 [hbm:s6], $0xF7A  }
0x23: {  	s9 =	sor.u32 $0xD0000000, s2;
	s6 =	simm.s32 $0x108;
	_ =	swait.ge @!p0 [sflag:s8], $0x0  }
0x24: {  	s3 =	sadd.s32 $0x88, s3;
	s6 =	simm.s32 @!p1 $0x1082;
	[sflag:s4] =	ssyncset.s32 $0xFFFFF086  }
0x25: {  	[simem:s6], [sflag:s4] =	dma.local [hbm:s3], $0xF7A  }
0x26: {  	[smem:$0x3F9E] =	sst s1;
	(tag) =	ssettag s2;
	_ =	strace s9  }
0x27: {  	s1 =	sld [smem:$0x3FAE]  }
0x28: {  	s2 =	sld [smem:$0x3FAF]  }
0x29: {  	s4 =	sld [smem:$0x3FB1]  }
0x2a: {  	p0 =	seq.s32 s5, $0x0;
	s5 =	sld [smem:$0x3FB2]  }
0x2b: {  	s6 =	sld [smem:$0x3FB3]  }
0x2c: {  	s7 =	sld [smem:$0x3FB4]  }
0x2d: {  	s3 =	simm.s32 $0x108;
	s8 =	sld [smem:$0x3FB5]  }
0x2e: {  	s3 =	simm.s32 @!p0 $0x1082;
	s9 =	sld [smem:$0x3FB6]  }
0x2f: {  	lr =	sadd.s32 s0, s3;
	s0 =	sld [smem:$0x3FAD]  }
0x30: {  	s3 =	sld [smem:$0x3FB0]  }
0x31: {  	[smem:$0x3FB9] =	sst s10  }
0x32: {  	s10 =	sld [smem:$0x3FB7];
	_ =	sdelay $0x3  }
0x33: {  	p0 =	seq.s32 s10, $0x1;
	s10 =	sld [smem:$0x3FB9];
	_ =	sdelay $0x3  }
0x34: {  	[smem:$0x3FB9] =	sst s10  }
0x35: {  	s10 =	sld [smem:$0x3FB8];
	_ =	sdelay $0x3  }
0x36: {  	p1 =	seq.s32 s10, $0x1;
	s10 =	sld [smem:$0x3FB9];
	_ =	sdelay $0x3  }
0x37: {  	[smem:$0x3FB9] =	sst s10  }
0x38: {  	s10 =	sld [smem:$0x3FBA]  }
0x39: {  	_ = 	snop;
	(pc) =	sbr.ind lr, $3  }
0x3a: {  	_ = 	snop  }
0x3b: {  	_ = 	snop  }
0x3c: {  	p2 =	seq.s32 s10, $0x1;
	s10 =	sld [smem:$0x3FB9]  }
0x3d: {  	_ =	shalt  }
0x3e: {  	_ =	shalt  }
0x3f: {  	_ =	shalt  }
0x40: {  	_ =	shalt  }
0x41: {  	_ =	shalt  }
0x42: {  	_ =	shalt  }
0x43: {  	_ =	shalt  }
0x44: {  	_ =	shalt  }
0x45: {  	_ =	shalt  }
0x46: {  	_ =	shalt  }
0x47: {  	_ =	shalt  }
0x48: {  	_ =	shalt  }
0x49: {  	_ =	shalt  }
0x4a: {  	_ =	shalt  }
0x4b: {  	_ =	shalt  }
0x4c: {  	_ =	shalt  }
0x4d: {  	_ =	shalt  }
0x4e: {  	_ =	shalt  }
0x4f: {  	_ =	shalt  }
0x50: {  	_ =	shalt  }
0x51: {  	_ =	shalt  }
0x52: {  	_ =	shalt  }
0x53: {  	_ =	shalt  }
0x54: {  	_ =	shalt  }
0x55: {  	_ =	shalt  }
0x56: {  	_ =	shalt  }
0x57: {  	_ =	shalt  }
0x58: {  	_ =	shalt  }
0x59: {  	_ =	shalt  }
0x5a: {  	_ =	shalt  }
0x5b: {  	_ =	shalt  }
0x5c: {  	_ =	shalt  }
0x5d: {  	_ =	shalt  }
0x5e: {  	_ =	shalt  }
0x5f: {  	_ =	shalt  }
0x60: {  	_ =	shalt  }
0x61: {  	_ =	shalt  }
0x62: {  	_ =	shalt  }
0x63: {  	_ =	shalt  }
0x64: {  	_ =	shalt  }
0x65: {  	_ =	shalt  }
0x66: {  	_ =	shalt  }
0x67: {  	_ =	shalt  }
0x68: {  	_ =	shalt  }
0x69: {  	_ =	shalt  }
0x6a: {  	_ =	shalt  }
0x6b: {  	_ =	shalt  }
0x6c: {  	_ =	shalt  }
0x6d: {  	_ =	shalt  }
0x6e: {  	_ =	shalt  }
0x6f: {  	_ =	shalt  }
0x70: {  	_ =	shalt  }
0x71: {  	_ =	shalt  }
0x72: {  	_ =	shalt  }
0x73: {  	_ =	shalt  }
0x74: {  	_ =	shalt  }
0x75: {  	_ =	shalt  }
0x76: {  	_ =	shalt  }
0x77: {  	_ =	shalt  }
0x78: {  	_ =	shalt  }
0x79: {  	_ =	shalt  }
0x7a: {  	_ =	shalt  }
0x7b: {  	_ =	shalt  }
0x7c: {  	_ =	shalt  }
0x7d: {  	_ =	shalt  }
0x7e: {  	_ =	shalt  }
0x7f: {  	_ =	shalt  }
0x80: {  	_ =	shalt  }
0x81: {  	_ =	shalt  }
0x82: {  	_ =	shalt  }
0x83: {  	_ =	shalt  }
0x84: {  	_ =	shalt  }
0x85: {  	_ =	shalt  }
0x86: {  	_ =	shalt  }
0x87: {  	_ =	shalt  }
.Lfunc_end0:
.L_simem_size_0:
called_computation_lowered:
.L_overlay_start_0:
0x88: {  	s2 =	sld [smem:$0x3FD9]  }
0x89: {  	s3 =	sld [smem:$0x3FFE];
	_ =	sdelay $0x1  }
0x8a: {  	s1 =	srdreg.scid  }
0x8b: {  	s0 =	sand.u32 $0x1, s1  }
0x8c: {  	s17 =	sshll.u32 s0, $0xA;
	s2 =	sadd.s32 s3, s2  }
0x8d: {  	s2 =	sadd.s32 s2, s17  }
0x8e: {  	[smem:$0x3FC5] =	sst s2  }
0x8f: {  	_ = 	snop  }
0x90: {  	s2 =	sld [smem:$0x3FC9]  }
0x91: {  	s18 =	sld [smem:$0x3FD0];
	(tm) =	ssettm $0x1  }
0x92: {  	s4 =	sld [smem:$0x3FFB];
	_ =	sdelay $0x3  }
0x93: {  	_ =	strace s4  }
0x94: {  	s4 =	sld [smem:$0x3FFC];
	_ =	sdelay $0x3  }
0x95: {  	_ =	strace s4  }
0x96: {  	s4 =	sld [smem:$0x3FFD];
	_ =	sdelay $0x3  }
0x97: {  	_ =	strace s4  }
0x98: {  	_ =	strace $0x8FFFFFFF  }
0x99: {  	s19 =	sld [smem:$0x3FDB];
	_ =	sdelay $0x1  }
0x9a: {  	s5 =	simm.s32 $_scs_section_size  }
0x9b: {  	s6 =	simm.s32 $_size__tile_overlayer_lowered;
	s7 =	simm.s32 $_tile_overlayer_lowered  }
0x9c: {  	s22 =	simm.s32 $0x1BFF;
	s21 =	sshll.u32 s7, $0x1;
	s4 =	sadd.s32 s5, s19  }
0x9d: {  	s8 =	simm.s32 $0x0;
	s20 =	sshll.u32 s6, $0x1;
	s6 =	sadd.s32 s21, s4  }
0x9e: {  	[timem:s8], [sflag:s22] =	dma.local [hbm:s6], s20  }
0x9f: {  	_ =	swait.ge [sflag:s22], s20  }
0xa0: {  	s5 =	ssub.s32 $0x0, s20;
	[sflag:s22] =	ssyncset.done $0x0  }
0xa1: {  	[sflag:s22] =	ssyncadd.s32 s5;
	_ =	sdelay $0x1  }
0xa2: {  	s23 =	simm.s32 $0x1B8B  }
0xa3: {  	_ =	swait.ge [sflag:s23], $0x1  }
0xa4: {  	[sflag:s23] =	ssyncset.done $0x0  }
0xa5: {  	s25 =	simm.s32 $0x1B8E;
	s24 =	sld [smem:$0x3FFE];
	[sflag:s23] =	ssyncadd.s32 $0xFFFFFFFF  }
0xa6: {  	s26 =	simm.s32 $execute0_lowered;
	[smem:$0x3FD2] =	sst s25  }
0xa7: {  	s6 =	sshll.u32 s26, $0x1;
	_ =	strace $0x80000046;
	[dreg:$0x1] =	wrdreg $0xFFFFFFFF  }
0xa8: {  	s28 =	simm.s32 $_size_execute0_lowered;
	s4 =	sadd.s32 s4, s6;
	[dreg:$0x0] =	wrdreg $0x0  }
0xa9: {  	s6 =	sshll.u32 s28, $0x1;
	[dreg:$0x2] =	wrdreg s4  }
0xaa: {  	[dreg:$0x3] =	wrdreg s6  }
0xab: {  	[dreg:$0x4] =	wrdreg $0xC0  }
0xac: {  	_ =	task [dreg:s8], $0x5FFFF  }
0xad: {  	[dreg:$0x1] =	wrdreg $0xFFFFFFFF  }
0xae: {  	[dreg:$0x0] =	wrdreg $0x60  }
0xaf: {  	[dreg:$0x2] =	wrdreg s2  }
0xb0: {  	[dreg:$0x3] =	wrdreg s24  }
0xb1: {  	[dreg:$0x4] =	wrdreg s18  }
0xb2: {  	[dreg:$0x5] =	wrdreg $0x2D00  }
0xb3: {  	[dreg:$0x6] =	wrdreg $0x9  }
0xb4: {  	_ =	task.clear_ibuf [dreg:s8], $0x7FFFF;
	_ =	strace $0x90000046  }
0xb5: {  	s29 =	simm.s32 $0x9;
	_ =	strace $0x80000048  }
0xb6: {  	_ =	swait.ge [sflag:s29], $0x1  }
0xb7: {  	[sflag:s29] =	ssyncadd.s32 $0xFFFFFFFF  }
0xb8: {  	_ =	strace $0x90000048  }
0xb9: {  	_ =	sfence  }
0xba: {  	s30 =	sld [smem:$0x0];
	_ =	sdelay $0x2  }
0xbb: {  	s31 =	sshll.u32 s1, $0xD;
	s1 =	sshrl.u32 s1, $0x2  }
0xbc: {  	s3 =	sand.u32 $0x4000, s31;
	s1 =	sadd.s32 s1, s30  }
0xbd: {  	s0 =	sor.u32 s3, s0;
	s1 =	sshll.u32 s1, $0x11  }
0xbe: {  	s0 =	sor.u32 s1, s0  }
0xbf: {  	s0 =	sadd.s32 $0x8F2B, s0  }
0xc0: {  	[sflag:s0] =	ssyncadd.remote.s32 $0x1  }
0xc1: {  	_ =	sfence.sel $0xFFFF  }
0xc2: {  	[dreg:$0x0] =	wrdreg $0xFFFFFFFF;
	(pc) =	sbr.abs _section_cstart, $3  }
0xc3: {  	[dreg:$0x1] =	wrdreg $0xFFFFFFFF  }
0xc4: {  	_ =	task.clear_ibuf [dreg:s8], $0x2FFFF;
	_ =	strace $0x9FFFFFFF  }
0xc5: {  	(tm) =	ssettm $0x7FFFFFFF  }
tec
execute0_lowered:
.L_overlay_start_1:
0x0: {  	(tag) =	ssettag $0x1  }
0x1: {  	s11 =	rddreg [dreg:$0x0]  }
0x2: {  	s9 =	rddreg [dreg:$0x1]  }
0x3: {  	s13 =	rddreg [dreg:$0x2]  }
0x4: {  	s2 =	rddreg [dreg:$0x3];
	s1 =	stileid.u32  }
0x5: {  	s0 =	rddreg [dreg:$0x4];
	s3 =	simm.s32 $0x0;
	s5 =	srdreg.scid  }
0x6: {  	s4 =	smul.u32 $0x1400, s1;
	[smem:$0x7FF] =	sst s3  }
0x7: {  	s15 =	sand.u32 $0x1, s5;
	s26 =	sshll.u32 s1, $0x1;
	s28 =	sshll.u32 s1, $0x6  }
0x8: {  	_ =	strace $0x80000047;
	s8 =	sor.u32 s15, s26;
	s14 =	sshrl.u32 s4, $0x3  }
0x9: {  	s5 =	sor.u32 $0x1C01, s28;
	s7 =	sadd.s32 s4, s2;
	s6 =	sadd.s32 s14, s9  }
0xa: {  	s7 =	sshrl.u32 s7, $0x3;
	s4 =	sadd.s32 $0x1A00, s6;
	s6 =	simm.s32 $0x1  }
0xb: {  	[spmem:s7], [sflag:s5] =	dma.local [hbm:s4], $0x280  }
0xc: {  	s12 =	smul.u32 $0xA0, s8;
	_ =	swait.ge [sflag:s6], $0x280  }
0xd: {  	[sflag:s6] =	ssyncset.done $0x0  }
0xe: {  	s8 =	sshrl.u32 s12, $0x3;
	[sflag:s6] =	ssyncadd.s32 $0xFFFFFD80  }
0xf: {  	s8 =	sadd.s32 s11, s8;
	[bflag:$0x0] =	sbarrier.arrive $0xFFFF  }
0x10: {  	[tilespmem:s3], [sflag:$0x1] =	stream.linear.gather [hbm4b:s8+s3], $0x50, $0x38;
	[tilespmem:$0x16D0] =	vst v63  }
0x11: {  	_ =	swait.ge [sflag:s6], $0x50  }
0x12: {  	s16 =	sadd.s32 $0x600, s9;
	[sflag:s6] =	ssyncset.done $0x0  }
0x13: {  	s10 =	simm.s32 $0x50;
	s9 =	sadd.s32 s16, s12;
	[sflag:s6] =	ssyncadd.s32 $0xFFFFFFB0  }
0x14: {  	[tilespmem:s10], [sflag:$0x1] =	stream.linear.gather [hbm4b:s9+s3], $0x280, $0x38;
	[tilespmem:$0x16D0] =	vst v63  }
0x15: {  	_ =	swait.ge [sflag:s6], $0x280  }
0x16: {  	[sflag:s6] =	ssyncset.done $0x0  }
0x17: {  	[sflag:s6] =	ssyncadd.s32 $0xFFFFFD80  }
0x18: {  	[spmem:s2] =	stream.indirect.scatter.add.f32 [tilespmem:s10], [sflag:$0x1], $0x8, s3, s10, $0xb8;
	[tilespmem:$0x16D0] =	vst v63  }
0x19: {  	s12 =	sadd.s32 $0x50, s12;
	_ =	swait.ge [sflag:s6], $0x280  }
0x1a: {  	s17 =	sshrl.u32 s12, $0x3;
	[sflag:s6] =	ssyncset.done $0x0  }
0x1b: {  	s11 =	sadd.s32 s11, s17;
	[sflag:s6] =	ssyncadd.s32 $0xFFFFFD80  }
0x1c: {  	[tilespmem:s3], [sflag:$0x1] =	stream.linear.gather [hbm4b:s11+s3], $0x50, $0x38;
	[tilespmem:$0x16D0] =	vst v63  }
0x1d: {  	_ =	swait.ge [sflag:s6], $0x50  }
0x1e: {  	[sflag:s6] =	ssyncset.done $0x0  }
0x1f: {  	s12 =	sadd.s32 s16, s12;
	[sflag:s6] =	ssyncadd.s32 $0xFFFFFFB0  }
0x20: {  	[tilespmem:s10], [sflag:$0x1] =	stream.linear.gather [hbm4b:s12+s3], $0x280, $0x38;
	[tilespmem:$0x16D0] =	vst v63  }
0x21: {  	s29 =	ssub.s32 $0x2, s15;
	_ =	swait.ge [sflag:s6], $0x280  }
0x22: {  	s30 =	sshrl.u32 s29, $0x1;
	[sflag:s6] =	ssyncset.done $0x0  }
0x23: {  	s16 =	ssub.s32 s29, s30;
	[sflag:s6] =	ssyncadd.s32 $0xFFFFFD80  }
0x24: {  	[spmem:s2] =	stream.indirect.scatter.add.f32 [tilespmem:s10], [sflag:$0x1], $0x8, s3, s10, $0xb8;
	[tilespmem:$0x16D0] =	vst v63  }
0x25: {  	s15 =	smul.u32 $0x2800, s15;
	s31 =	smax.u32 s16, $0x1;
	_ =	swait.ge [sflag:s6], $0x280  }
0x26: {  	p0 =	sne.s32 s31, $0x1;
	[sflag:s6] =	ssyncset.done $0x0  }
.Ltmp0:
0x27: {  	s13 =	sadd.s32 s13, s15;
	[sflag:s6] =	ssyncadd.s32 $0xFFFFFD80;
	(pc) =	sbr.rel @!p0 .LBB2_2-.Ltmp0, $4  }
0x28: {  	s13 =	sadd.s32 s14, s13;
	[bflag:$0x0] =	sbarrier.arrive $0xFFFF  }
0x29: {  	[hbm:s13], [sflag:s5] =	dma.local [spmem:s7], $0x280  }
0x2a: {  	_ =	swait.ge [sflag:s6], $0x280  }
0x2b: {  	s14 =	sadd.s32 $0xFFFFFFFF, s31;
	[sflag:s6] =	ssyncset.done $0x0  }
.LBB2_1:
0x2c: {  	p0 =	sne.s32 s14, $0x1;
	s14 =	sadd.s32 $0xFFFFFFFF, s14;
	[sflag:s6] =	ssyncadd.s32 $0xFFFFFD80  }
0x2d: {  	[spmem:s7], [sflag:s5] =	dma.local [hbm:s4], $0x280  }
0x2e: {  	_ =	swait.ge [sflag:s6], $0x280  }
0x2f: {  	[sflag:s6] =	ssyncset.done $0x0  }
0x30: {  	[sflag:s6] =	ssyncadd.s32 $0xFFFFFD80  }
0x31: {  	[bflag:$0x0] =	sbarrier.arrive $0xFFFF  }
0x32: {  	[tilespmem:s3], [sflag:$0x1] =	stream.linear.gather [hbm4b:s8+s3], $0x50, $0x38;
	[tilespmem:$0x16D0] =	vst v63  }
0x33: {  	_ =	swait.ge [sflag:s6], $0x50  }
0x34: {  	[sflag:s6] =	ssyncset.done $0x0  }
0x35: {  	[sflag:s6] =	ssyncadd.s32 $0xFFFFFFB0  }
0x36: {  	[tilespmem:s10], [sflag:$0x1] =	stream.linear.gather [hbm4b:s9+s3], $0x280, $0x38;
	[tilespmem:$0x16D0] =	vst v63  }
0x37: {  	_ =	swait.ge [sflag:s6], $0x280  }
0x38: {  	[sflag:s6] =	ssyncset.done $0x0  }
0x39: {  	[sflag:s6] =	ssyncadd.s32 $0xFFFFFD80  }
0x3a: {  	[spmem:s2] =	stream.indirect.scatter.add.f32 [tilespmem:s10], [sflag:$0x1], $0x8, s3, s10, $0xb8;
	[tilespmem:$0x16D0] =	vst v63  }
0x3b: {  	_ =	swait.ge [sflag:s6], $0x280  }
0x3c: {  	[sflag:s6] =	ssyncset.done $0x0  }
0x3d: {  	[sflag:s6] =	ssyncadd.s32 $0xFFFFFD80  }
0x3e: {  	[tilespmem:s3], [sflag:$0x1] =	stream.linear.gather [hbm4b:s11+s3], $0x50, $0x38;
	[tilespmem:$0x16D0] =	vst v63  }
0x3f: {  	_ =	swait.ge [sflag:s6], $0x50  }
0x40: {  	[sflag:s6] =	ssyncset.done $0x0  }
0x41: {  	[sflag:s6] =	ssyncadd.s32 $0xFFFFFFB0  }
0x42: {  	[tilespmem:s10], [sflag:$0x1] =	stream.linear.gather [hbm4b:s12+s3], $0x280, $0x38;
	[tilespmem:$0x16D0] =	vst v63  }
0x43: {  	_ =	swait.ge [sflag:s6], $0x280  }
0x44: {  	[sflag:s6] =	ssyncset.done $0x0  }
0x45: {  	[sflag:s6] =	ssyncadd.s32 $0xFFFFFD80  }
0x46: {  	[spmem:s2] =	stream.indirect.scatter.add.f32 [tilespmem:s10], [sflag:$0x1], $0x8, s3, s10, $0xb8;
	[tilespmem:$0x16D0] =	vst v63  }
0x47: {  	_ =	swait.ge [sflag:s6], $0x280  }
0x48: {  	[sflag:s6] =	ssyncset.done $0x0  }
.Ltmp1:
0x49: {  	[sflag:s6] =	ssyncadd.s32 $0xFFFFFD80;
	(pc) =	sbr.rel @p0 .LBB2_1-.Ltmp1, $4  }
0x4a: {  	[bflag:$0x0] =	sbarrier.arrive $0xFFFF  }
0x4b: {  	[hbm:s13], [sflag:s5] =	dma.local [spmem:s7], $0x280  }
0x4c: {  	_ =	swait.ge [sflag:s6], $0x280  }
0x4d: {  	[sflag:s6] =	ssyncset.done $0x0  }
.LBB2_2:
0x4e: {  	[sflag:s6] =	ssyncadd.s32 $0xFFFFFD80  }
0x4f: {  	_ =	sfence.sel $0x180000  }
0x50: {  	[bflag:$0x0] =	sbarrier.arrive $0xFFFF  }
0x51: {  	p0 =	sne.s32 s1, $0x0;
	_ =	strace $0x90000047  }
0x52: {  	s0 =	sadd.s32 @!p0 $0x100000, s0;
	[bflag:$0x2] =	sbarrier.arrive $0xFFFF  }
0x53: {  	[sflag:s0] =	ssyncadd.tile.s32 @!p0 $0x1;
	_ =	shalt  }
.Lfunc_end2:
_tile_overlayer_lowered:
.L_overlay_start_2:
0x54: {  	(tag) =	ssettag $0x2  }
0x55: {  	s0 =	rddreg [dreg:$0x0];
	s2 =	stileid.u32  }
0x56: {  	s1 =	rddreg [dreg:$0x1];
	p0 =	sne.s32 s2, $0x0  }
0x57: {  	s3 =	rddreg [dreg:$0x2];
	[bflag:$0x3] =	sbarrier.arrive $0xFFFF;
	s2 =	simm.s32 @!p0 $0x1C01  }
0x58: {  	[timem:s3], [sflag:s2] =	dma.local @!p0 [hbm:s0], s1  }
0x59: {  	s0 =	simm.s32 @!p0 $0x1  }
0x5a: {  	_ =	swait.ge @!p0 [sflag:s0], s1  }
0x5b: {  	s1 =	ssub.s32 @!p0 $0x0, s1;
	[sflag:s0] =	ssyncset.done @!p0 $0x0  }
0x5c: {  	[sflag:s0] =	ssyncadd.s32 @!p0 s1  }
0x5d: {  	[bflag:$0x3] =	sbarrier.arrive $0xFFFF  }
0x5e: {  	_ =	shalt  }

</sc_bundles>
